<compile_context>
chip_gen: v7x
topology: tpu7x:2x2x1
jax: 0.10.2.dev20260603
libtpu: 0.0.44.dev20260713+nightly
codegen_flags: <defaults>
</compile_context>

<pallas_src>
import functools

import jax
import jax.numpy as jnp
from jax import lax
from jax.experimental import pallas as pl
from jax.experimental.pallas import tpu as pltpu
from jax.experimental.pallas import tpu_sc as plsc

_NUM_CORES = 2
_NUM_SUBCORES = 16
_NUM_WORKERS = _NUM_CORES * _NUM_SUBCORES

_ROW = 128
_LANES = 16


def _sc_gather_body(table_hbm, uidx_hbm, out_hbm, uidx_v, idx_v, rows_v, sem):
    n_per_w = idx_v.shape[0]
    W = table_hbm.shape[1]
    wid = lax.axis_index("s") * _NUM_CORES + lax.axis_index("c")
    base = wid * n_per_w
    pltpu.sync_copy(uidx_hbm.at[pl.ds(base, n_per_w)], uidx_v)
    for t in range(n_per_w // _LANES):
        v = uidx_v[pl.ds(t * _LANES, _LANES)]
        idx_v[pl.ds(t * _LANES, _LANES)] = lax.shift_right_logical(
            v, jnp.int32(7))
    pltpu.async_copy(table_hbm.at[idx_v], rows_v, sem).wait()
    pltpu.sync_copy(rows_v, out_hbm.at[pl.ds(base, n_per_w)])


def _sc_gather_rows(table, uidx):
    B = uidx.shape[0]
    W = table.shape[1]
    n_per_w = B // _NUM_WORKERS
    mesh = plsc.VectorSubcoreMesh(core_axis_name="c", subcore_axis_name="s")
    fn = functools.partial(
        pl.kernel,
        mesh=mesh,
        out_type=jax.ShapeDtypeStruct((B, W), jnp.float32),
        scratch_types=[
            pltpu.VMEM((n_per_w,), jnp.int32),
            pltpu.VMEM((n_per_w,), jnp.int32),
            pltpu.VMEM((n_per_w, W), jnp.float32),
            pltpu.SemaphoreType.DMA,
        ],
    )(_sc_gather_body)
    return fn(table, uidx)


def _tc_body(cc_ref, g_ref, uidx_ref, bias_ref, x1_ref, x2_ref, out_ref,
             beta_vmem):
    P = x1_ref.shape[1]
    B = x1_ref.shape[2]

    @pl.when(pl.program_id(0) == 0)
    def _select_beta():
        col = lax.bitwise_and(uidx_ref[...], jnp.int32(_ROW - 1))
        lane = lax.broadcasted_iota(jnp.int32, (B, _ROW), 1)
        oh = lane == col
        betas = [
            jnp.sum(jnp.where(oh, g_ref[:, pl.ds(p * _ROW, _ROW)], 0.0),
                    axis=1, keepdims=True)
            for p in range(P)
        ]
        beta2 = jnp.concatenate(betas, axis=1)
        eye = (lax.broadcasted_iota(jnp.int32, (P, P), 0) ==
               lax.broadcasted_iota(jnp.int32, (P, P), 1)).astype(jnp.bfloat16)
        beta_vmem[...] = lax.dot_general(
            eye, beta2.astype(jnp.bfloat16), (((1,), (1,)), ((), ())),
            preferred_element_type=jnp.float32)

    betaT = beta_vmem[...]
    ccv = jnp.concatenate([cc_ref[p].reshape(1) for p in range(P)])
    cc3 = ccv.reshape(1, P, 1)
    z = x1_ref[...] * cc3 + x2_ref[...] * betaT[None]
    u = jnp.sum(z, axis=1)
    out_ref[...] = u + bias_ref[0]


def kernel(x_price_cost, x_user_income, x_intercept, coef_constant, coef_user,
           coef_item, user_index):
    B, I, P = x_price_cost.shape
    del x_intercept

    x1 = x_price_cost.transpose(1, 2, 0)
    x2 = x_user_income.transpose(1, 2, 0)

    U = coef_user.shape[0]
    tableT = coef_user.transpose(1, 0)
    Upad = (U + _ROW - 1) // _ROW * _ROW
    table = (jnp.pad(tableT, ((0, 0), (0, Upad - U)))
             .reshape(P, Upad // _ROW, _ROW)
             .transpose(1, 0, 2)
             .reshape(Upad // _ROW, P * _ROW))

    uidx = user_index.astype(jnp.int32)
    g = _sc_gather_rows(table, uidx)

    II = 200
    grid = (I // II,)
    biasT = jnp.pad(coef_item, ((1, 0), (0, 0))).reshape(I // II, II, 1)

    outT = pl.pallas_call(
        _tc_body,
        grid=grid,
        in_specs=[
            pl.BlockSpec(memory_space=pltpu.SMEM),
            pl.BlockSpec((B, P * _ROW), lambda i: (0, 0)),
            pl.BlockSpec((B, 1), lambda i: (0, 0)),
            pl.BlockSpec((1, II, 1), lambda i: (i, 0, 0)),
            pl.BlockSpec((II, P, B), lambda i: (i, 0, 0)),
            pl.BlockSpec((II, P, B), lambda i: (i, 0, 0)),
        ],
        out_specs=pl.BlockSpec((II, B), lambda i: (i, 0)),
        out_shape=jax.ShapeDtypeStruct((I, B), jnp.float32),
        scratch_shapes=[pltpu.VMEM((P, B), jnp.float32)],
    )(coef_constant, g, uidx.reshape(B, 1), biasT, x1, x2)
    return outT.transpose(1, 0)

# --- scband reference (transcript-rebuilt; emitter-appended) ---
"""Pipeline reference for scband-conditional-logit-model-27169963115079 (READ-ONLY COPY).

The authoritative reference and input builder live on the scoring server;
editing this copy changes nothing except your own understanding.
"""

import jax, jax.numpy as jnp
import numpy as np


def setup_inputs(seed: int = 0) -> dict:
    key = jax.random.key(seed)
    ks = jax.random.split(key, 8)
    B, I, U, P = 1024, 1000, 100000, 4
    x_price_cost = jax.random.normal(ks[0], (B, I, P), dtype=jnp.float32)
    x_user_income = jax.random.normal(ks[1], (B, I, P), dtype=jnp.float32)
    x_intercept = jnp.ones((B, I, 1), dtype=jnp.float32)
    user_index = jax.random.randint(ks[2], (B,), 0, U)
    # learned coefficients, sized per init_kwargs
    coef_constant = jax.random.normal(ks[3], (P,), dtype=jnp.float32) * 0.1
    coef_user = jax.random.normal(ks[4], (U, P), dtype=jnp.float32) * 0.1
    # 'item' variation: coefficients for first item forced to zero, so only num_items-1 learned rows
    coef_item = jax.random.normal(ks[5], (I - 1, 1), dtype=jnp.float32) * 0.1
    return {
        "x_price_cost": x_price_cost,
        "x_user_income": x_user_income,
        "x_intercept": x_intercept,
        "coef_constant": coef_constant,
        "coef_user": coef_user,
        "coef_item": coef_item,
        "user_index": user_index,
    }


def reference(x_price_cost, x_user_income, x_intercept, coef_constant, coef_user, coef_item, user_index):
    # Conditional logit utility: U[b, i] = sum over variables of x[b, i, :] . beta_variation
    # constant variation: same beta for all users/items
    utility = jnp.einsum('bip,p->bi', x_price_cost, coef_constant)
    # user variation: gather user-specific coefficients (embedding lookup)
    beta_u = jnp.take(coef_user, user_index, axis=0)  # (B, P)
    utility = utility + jnp.einsum('bip,bp->bi', x_user_income, beta_u)
    # item variation: first item's coefficient forced to zero (standard econometric practice)
    coef_item_full = jnp.concatenate(
        [jnp.zeros((1, coef_item.shape[1]), dtype=coef_item.dtype), coef_item], axis=0
    )  # (I, 1)
    utility = utility + jnp.einsum('bip,ip->bi', x_intercept, coef_item_full)
    return utility

if __name__ == "__main__":
    import jax
    _d = setup_inputs()
    print(jax.jit(kernel)(*tuple(_d.values())))

</pallas_src>

<mosaic_0001>
#map = affine_map<(d0, d1) -> (0, 0)>
#map1 = affine_map<(d0, d1) -> (0)>
module attributes {stable_mosaic.version = 14 : i64} {
  func.func @_sc_gather_body(%arg0: i32, %arg1: i32, %arg2: memref<782x512xf32, #tpu.memory_space<hbm>>, %arg3: memref<1024xi32, #tpu.memory_space<hbm>>, %arg4: memref<1024x512xf32, #tpu.memory_space<hbm>>, %arg5: memref<32xi32, #tpu.memory_space<vmem>>, %arg6: memref<32xi32, #tpu.memory_space<vmem>>, %arg7: memref<32x512xf32, #tpu.memory_space<vmem>>, %arg8: memref<!tpu.dma_semaphore, #tpu.memory_space<semaphore_mem>>) attributes {dimension_semantics = [#tpu.dimension_semantics<core_parallel>, #tpu.dimension_semantics<subcore_parallel>], iteration_bounds = array<i64: 2, 16>, scalar_prefetch = 0 : i64, scratch_operands = 4 : i64, tpu.core_type = #tpu.core_type<sc_vector_subcore>, window_params = [{transform_indices = #map}, {transform_indices = #map1}, {transform_indices = #map}]} {
    %mul3A = arith.constant 2 : i32
    %mul3A_0 = arith.muli %arg1, %mul3A : i32
    %add3A = arith.addi %mul3A_0, %arg0 : i32
    %mul3A_1 = arith.constant 32 : i32
    %mul3A_2 = arith.muli %add3A, %mul3A_1 : i32
    "tpu.region"() ({
      %run_scoped3A = tpu.sem_alloc : memref<!tpu.dma_semaphore, #tpu.memory_space<semaphore_mem>>
      %dma_start3A_24 = tpu.memref_slice %arg3[%mul3A_2] : memref<1024xi32, #tpu.memory_space<hbm>> -> memref<32xi32, #tpu.memory_space<hbm>>
      %dma_start3A_25 = tpu.memref_slice %arg3[%mul3A_2] : memref<1024xi32, #tpu.memory_space<hbm>> -> memref<32xi32, #tpu.memory_space<hbm>>
      tpu.enqueue_dma source(%dma_start3A_25 : memref<32xi32, #tpu.memory_space<hbm>>) target(%arg5 : memref<32xi32, #tpu.memory_space<vmem>>) target_semaphore(%run_scoped3A : memref<!tpu.dma_semaphore, #tpu.memory_space<semaphore_mem>>)
      %dma_wait3A_26 = tpu.memref_slice %arg3[%mul3A_2] : memref<1024xi32, #tpu.memory_space<hbm>> -> memref<32xi32, #tpu.memory_space<hbm>>
      %dma_wait3A_27 = tpu.memref_slice %arg3[%mul3A_2] : memref<1024xi32, #tpu.memory_space<hbm>> -> memref<32xi32, #tpu.memory_space<hbm>>
      tpu.wait_dma2 semaphore(%run_scoped3A : memref<!tpu.dma_semaphore, #tpu.memory_space<semaphore_mem>>) src(%dma_wait3A_27 : memref<32xi32, #tpu.memory_space<hbm>>) dst(%arg5 : memref<32xi32, #tpu.memory_space<vmem>>)
      tpu.yield
    }) : () -> ()
    %get3A = arith.constant 0 : index
    %get3A_3 = tpu.vector_load %arg5[%get3A] {strides = array<i32>} : memref<32xi32, #tpu.memory_space<vmem>>, vector<16xi32>,
    %get3A_4 = vector.shape_cast %get3A_3 : vector<16xi32> to vector<16xi32>
    %shift_right_logical3A = arith.constant 7 : i32
    %shift_right_logical3A_5 = vector.broadcast %shift_right_logical3A : i32 to vector<16xi32>
    %shift_right_logical3A_6 = arith.shrui %get3A_4, %shift_right_logical3A_5 : vector<16xi32>
    %swap3A = arith.constant 0 : index
    %swap3A_7 = tpu.vector_load %arg6[%swap3A] {strides = array<i32>} : memref<32xi32, #tpu.memory_space<vmem>>, vector<16xi32>,
    %swap3A_8 = vector.shape_cast %swap3A_7 : vector<16xi32> to vector<16xi32>
    %swap3A_9 = vector.shape_cast %shift_right_logical3A_6 : vector<16xi32> to vector<16xi32>
    tpu.vector_store %arg6[%swap3A], %swap3A_9 {strides = array<i32>} : memref<32xi32, #tpu.memory_space<vmem>>, vector<16xi32>,
    %get3A_10 = arith.constant 16 : index
    %get3A_11 = tpu.vector_load %arg5[%get3A_10] {strides = array<i32>} : memref<32xi32, #tpu.memory_space<vmem>>, vector<16xi32>,
    %get3A_12 = vector.shape_cast %get3A_11 : vector<16xi32> to vector<16xi32>
    %shift_right_logical3A_13 = arith.constant 7 : i32
    %shift_right_logical3A_14 = vector.broadcast %shift_right_logical3A_13 : i32 to vector<16xi32>
    %shift_right_logical3A_15 = arith.shrui %get3A_12, %shift_right_logical3A_14 : vector<16xi32>
    %swap3A_16 = arith.constant 16 : index
    %swap3A_17 = tpu.vector_load %arg6[%swap3A_16] {strides = array<i32>} : memref<32xi32, #tpu.memory_space<vmem>>, vector<16xi32>,
    %swap3A_18 = vector.shape_cast %swap3A_17 : vector<16xi32> to vector<16xi32>
    %swap3A_19 = vector.shape_cast %shift_right_logical3A_15 : vector<16xi32> to vector<16xi32>
    tpu.vector_store %arg6[%swap3A_16], %swap3A_19 {strides = array<i32>} : memref<32xi32, #tpu.memory_space<vmem>>, vector<16xi32>,
    %dma_start3A = arith.constant 0 : i32
    %dma_start3A_20 = arith.constant 0 : i32
    %dma_start3A_21 = tpu.memref_slice %arg2[%dma_start3A, %dma_start3A_20] : memref<782x512xf32, #tpu.memory_space<hbm>> -> memref<782x512xf32, #tpu.memory_space<hbm>>
    tpu.enqueue_indirect_dma source(%dma_start3A_21 : memref<782x512xf32, #tpu.memory_space<hbm>>) target(%arg7 : memref<32x512xf32, #tpu.memory_space<vmem>>) offsets(%arg6 : memref<32xi32, #tpu.memory_space<vmem>>) semaphore(%arg8 : memref<!tpu.dma_semaphore, #tpu.memory_space<semaphore_mem>>)
    %dma_wait3A = arith.constant 0 : i32
    %dma_wait3A_22 = arith.constant 0 : i32
    %dma_wait3A_23 = tpu.memref_slice %arg2[%dma_wait3A, %dma_wait3A_22] : memref<782x512xf32, #tpu.memory_space<hbm>> -> memref<782x512xf32, #tpu.memory_space<hbm>>
    tpu.wait_indirect_dma semaphore(%arg8 : memref<!tpu.dma_semaphore, #tpu.memory_space<semaphore_mem>>) src(%dma_wait3A_23 : memref<782x512xf32, #tpu.memory_space<hbm>>) dst(%arg7 : memref<32x512xf32, #tpu.memory_space<vmem>>)
    "tpu.region"() ({
      %run_scoped3A = tpu.sem_alloc : memref<!tpu.dma_semaphore, #tpu.memory_space<semaphore_mem>>
      %dma_start3A_24 = arith.constant 0 : i32
      %dma_start3A_25 = tpu.memref_slice %arg4[%mul3A_2, %dma_start3A_24] : memref<1024x512xf32, #tpu.memory_space<hbm>> -> memref<32x512xf32, #tpu.memory_space<hbm>>
      %dma_start3A_26 = arith.constant 0 : i32
      %dma_start3A_27 = tpu.memref_slice %arg4[%mul3A_2, %dma_start3A_26] : memref<1024x512xf32, #tpu.memory_space<hbm>> -> memref<32x512xf32, #tpu.memory_space<hbm>>
      tpu.enqueue_dma source(%arg7 : memref<32x512xf32, #tpu.memory_space<vmem>>) target(%dma_start3A_27 : memref<32x512xf32, #tpu.memory_space<hbm>>) target_semaphore(%run_scoped3A : memref<!tpu.dma_semaphore, #tpu.memory_space<semaphore_mem>>)
      %dma_wait3A_28 = arith.constant 0 : i32
      %dma_wait3A_29 = tpu.memref_slice %arg4[%mul3A_2, %dma_wait3A_28] : memref<1024x512xf32, #tpu.memory_space<hbm>> -> memref<32x512xf32, #tpu.memory_space<hbm>>
      %dma_wait3A_30 = arith.constant 0 : i32
      %dma_wait3A_31 = tpu.memref_slice %arg4[%mul3A_2, %dma_wait3A_30] : memref<1024x512xf32, #tpu.memory_space<hbm>> -> memref<32x512xf32, #tpu.memory_space<hbm>>
      tpu.wait_dma2 semaphore(%run_scoped3A : memref<!tpu.dma_semaphore, #tpu.memory_space<semaphore_mem>>) src(%arg7 : memref<32x512xf32, #tpu.memory_space<vmem>>) dst(%dma_wait3A_31 : memref<32x512xf32, #tpu.memory_space<hbm>>)
      tpu.yield
    }) : () -> ()
    return
  }
}

module attributes {stable_mosaic.version = 14 : i64} {
  func.func @_tc_body(%arg0: i32, %arg1: memref<4xf32, #tpu.memory_space<smem>>, %arg2: memref<1024x512xf32, #tpu.memory_space<vmem>>, %arg3: memref<1024x1xi32, #tpu.memory_space<vmem>>, %arg4: memref<1x200x1xf32, #tpu.memory_space<vmem>>, %arg5: memref<200x4x1024xf32, #tpu.memory_space<vmem>>, %arg6: memref<200x4x1024xf32, #tpu.memory_space<vmem>>, %arg7: memref<200x1024xf32, #tpu.memory_space<vmem>>, %arg8: memref<4x1024xf32, #tpu.memory_space<vmem>>) attributes {dimension_semantics = [#tpu.dimension_semantics<arbitrary>], iteration_bounds = array<i64: 5>, scalar_prefetch = 0 : i64, scratch_operands = 1 : i64, tpu.core_type = #tpu.core_type<tc>, window_params = [{transform_indices = @transform_0, window_bounds = array<i64: 4>}, {pipeline_mode = #tpu.pipeline_mode<synchronous>, transform_indices = @transform_1, window_bounds = array<i64: 1024, 512>}, {pipeline_mode = #tpu.pipeline_mode<synchronous>, transform_indices = @transform_2, window_bounds = array<i64: 1024, 1>}, {transform_indices = @transform_3, window_bounds = array<i64: 1, 200, 1>}, {transform_indices = @transform_4, window_bounds = array<i64: 200, 4, 1024>}, {transform_indices = @transform_5, window_bounds = array<i64: 200, 4, 1024>}, {transform_indices = @transform_6, window_bounds = array<i64: 200, 1024>}]} {
    %eq3A = arith.constant 0 : i32
    %eq3A_0 = arith.cmpi eq, %arg0, %eq3A : i32
    %convert_element_type3A = arith.extui %eq3A_0 : i1 to i32
    %cond3A = arith.constant 0 : i32
    %cond3A_1 = arith.cmpi ne, %convert_element_type3A, %cond3A : i32
    scf.if %cond3A_1 {
      %get3A_37 = arith.constant 0 : index
      %get3A_38 = arith.constant 0 : index
      %get3A_39 = vector.load %arg3[%get3A_37, %get3A_38] : memref<1024x1xi32, #tpu.memory_space<vmem>>, vector<1024x1xi32>
      %and3A = arith.constant 127 : i32
      %and3A_40 = vector.broadcast %and3A : i32 to vector<1024x1xi32>
      %and3A_41 = arith.andi %get3A_39, %and3A_40 : vector<1024x1xi32>
      %iota3A = tpu.iota {dimensions = array<i32: 1>} : vector<1024x128xi32>
      %eq3A_42 = vector.broadcast %and3A_41 : vector<1024x1xi32> to vector<1024x128xi32>
      %eq3A_43 = arith.cmpi eq, %iota3A, %eq3A_42 : vector<1024x128xi32>
      %get3A_44 = arith.constant 0 : index
      %get3A_45 = arith.constant 0 : index
      %get3A_46 = vector.load %arg2[%get3A_44, %get3A_45] : memref<1024x512xf32, #tpu.memory_space<vmem>>, vector<1024x128xf32>
      %jit3A = arith.constant 0.000000e+00 : f32
      %broadcast_in_dim3A_47 = vector.broadcast %jit3A : f32 to vector<1024x128xf32>
      %select_n3A = arith.select %eq3A_43, %get3A_46, %broadcast_in_dim3A_47 : vector<1024x128xi1>, vector<1024x128xf32>
      %reduce_sum3A_48 = arith.constant dense<0.000000e+00> : vector<1024xf32>
      %reduce_sum3A_49 = vector.multi_reduction <add>, %select_n3A, %reduce_sum3A_48 [1] : vector<1024x128xf32> to vector<1024xf32>
      %broadcast_in_dim3A_50 = vector.shape_cast %reduce_sum3A_49 : vector<1024xf32> to vector<1024x1xf32>
      %get3A_51 = arith.constant 0 : index
      %get3A_52 = arith.constant 128 : index
      %get3A_53 = vector.load %arg2[%get3A_51, %get3A_52] : memref<1024x512xf32, #tpu.memory_space<vmem>>, vector<1024x128xf32>
      %jit3A_54 = arith.constant 0.000000e+00 : f32
      %broadcast_in_dim3A_55 = vector.broadcast %jit3A_54 : f32 to vector<1024x128xf32>
      %select_n3A_56 = arith.select %eq3A_43, %get3A_53, %broadcast_in_dim3A_55 : vector<1024x128xi1>, vector<1024x128xf32>
      %reduce_sum3A_57 = arith.constant dense<0.000000e+00> : vector<1024xf32>
      %reduce_sum3A_58 = vector.multi_reduction <add>, %select_n3A_56, %reduce_sum3A_57 [1] : vector<1024x128xf32> to vector<1024xf32>
      %broadcast_in_dim3A_59 = vector.shape_cast %reduce_sum3A_58 : vector<1024xf32> to vector<1024x1xf32>
      %get3A_60 = arith.constant 0 : index
      %get3A_61 = arith.constant 256 : index
      %get3A_62 = vector.load %arg2[%get3A_60, %get3A_61] : memref<1024x512xf32, #tpu.memory_space<vmem>>, vector<1024x128xf32>
      %jit3A_63 = arith.constant 0.000000e+00 : f32
      %broadcast_in_dim3A_64 = vector.broadcast %jit3A_63 : f32 to vector<1024x128xf32>
      %select_n3A_65 = arith.select %eq3A_43, %get3A_62, %broadcast_in_dim3A_64 : vector<1024x128xi1>, vector<1024x128xf32>
      %reduce_sum3A_66 = arith.constant dense<0.000000e+00> : vector<1024xf32>
      %reduce_sum3A_67 = vector.multi_reduction <add>, %select_n3A_65, %reduce_sum3A_66 [1] : vector<1024x128xf32> to vector<1024xf32>
      %broadcast_in_dim3A_68 = vector.shape_cast %reduce_sum3A_67 : vector<1024xf32> to vector<1024x1xf32>
      %get3A_69 = arith.constant 0 : index
      %get3A_70 = arith.constant 384 : index
      %get3A_71 = vector.load %arg2[%get3A_69, %get3A_70] : memref<1024x512xf32, #tpu.memory_space<vmem>>, vector<1024x128xf32>
      %jit3A_72 = arith.constant 0.000000e+00 : f32
      %broadcast_in_dim3A_73 = vector.broadcast %jit3A_72 : f32 to vector<1024x128xf32>
      %select_n3A_74 = arith.select %eq3A_43, %get3A_71, %broadcast_in_dim3A_73 : vector<1024x128xi1>, vector<1024x128xf32>
      %reduce_sum3A_75 = arith.constant dense<0.000000e+00> : vector<1024xf32>
      %reduce_sum3A_76 = vector.multi_reduction <add>, %select_n3A_74, %reduce_sum3A_75 [1] : vector<1024x128xf32> to vector<1024xf32>
      %broadcast_in_dim3A_77 = vector.shape_cast %reduce_sum3A_76 : vector<1024xf32> to vector<1024x1xf32>
      %concatenate3A_78 = tpu.concatenate %broadcast_in_dim3A_50, %broadcast_in_dim3A_59, %broadcast_in_dim3A_68, %broadcast_in_dim3A_77 in 1 : vector<1024x1xf32>, vector<1024x1xf32>, vector<1024x1xf32>, vector<1024x1xf32> -> vector<1024x4xf32>
      %iota3A_79 = tpu.iota {dimensions = array<i32: 0>} : vector<4x4xi32>
      %iota3A_80 = tpu.iota {dimensions = array<i32: 1>} : vector<4x4xi32>
      %eq3A_81 = arith.cmpi eq, %iota3A_79, %iota3A_80 : vector<4x4xi32>
      %convert_element_type3A_82 = arith.extui %eq3A_81 : vector<4x4xi1> to vector<4x4xi32>
      %convert_element_type3A_83 = arith.sitofp %convert_element_type3A_82 : vector<4x4xi32> to vector<4x4xf32>
      %convert_element_type3A_84 = arith.truncf %convert_element_type3A_83 : vector<4x4xf32> to vector<4x4xbf16>
      %convert_element_type3A_85 = arith.truncf %concatenate3A_78 : vector<1024x4xf32> to vector<1024x4xbf16>
      %dot_general3A = arith.constant dense<0.000000e+00> : vector<4x1024xf32>
      %dot_general3A_86 = tpu.matmul %convert_element_type3A_84, %convert_element_type3A_85, %dot_general3A {dimension_numbers = #tpu.dot_dimension_numbers<[1], [1], [0], [0], [0, 0, 1, 0], [], []>, transpose_lhs_hint = false} : vector<4x4xbf16>, vector<1024x4xbf16>, vector<4x1024xf32> -> vector<4x1024xf32>
      %swap3A_87 = arith.constant 0 : index
      %swap3A_88 = arith.constant 0 : index
      %swap3A_89 = vector.load %arg8[%swap3A_87, %swap3A_88] : memref<4x1024xf32, #tpu.memory_space<vmem>>, vector<4x1024xf32>
      tpu.vector_store %arg8[%swap3A_87, %swap3A_88], %dot_general3A_86 {strides = array<i32>} : memref<4x1024xf32, #tpu.memory_space<vmem>>, vector<4x1024xf32>,
    } else {
    }
    %get3A = arith.constant 0 : index
    %get3A_2 = arith.constant 0 : index
    %get3A_3 = vector.load %arg8[%get3A, %get3A_2] : memref<4x1024xf32, #tpu.memory_space<vmem>>, vector<4x1024xf32>
    %get3A_4 = arith.constant 0 : index
    %get3A_5 = memref.load %arg1[%get3A_4] : memref<4xf32, #tpu.memory_space<smem>>
    %reshape3A = vector.broadcast %get3A_5 : f32 to vector<1xf32>
    %get3A_6 = arith.constant 1 : index
    %get3A_7 = memref.load %arg1[%get3A_6] : memref<4xf32, #tpu.memory_space<smem>>
    %reshape3A_8 = vector.broadcast %get3A_7 : f32 to vector<1xf32>
    %get3A_9 = arith.constant 2 : index
    %get3A_10 = memref.load %arg1[%get3A_9] : memref<4xf32, #tpu.memory_space<smem>>
    %reshape3A_11 = vector.broadcast %get3A_10 : f32 to vector<1xf32>
    %get3A_12 = arith.constant 3 : index
    %get3A_13 = memref.load %arg1[%get3A_12] : memref<4xf32, #tpu.memory_space<smem>>
    %reshape3A_14 = vector.broadcast %get3A_13 : f32 to vector<1xf32>
    %concatenate3A = tpu.concatenate %reshape3A, %reshape3A_8, %reshape3A_11, %reshape3A_14 in 0 : vector<1xf32>, vector<1xf32>, vector<1xf32>, vector<1xf32> -> vector<4xf32>
    %reshape3A_15 = vector.shape_cast %concatenate3A : vector<4xf32> to vector<1x4x1xf32>
    %get3A_16 = arith.constant 0 : index
    %get3A_17 = arith.constant 0 : index
    %get3A_18 = arith.constant 0 : index
    %get3A_19 = vector.load %arg5[%get3A_16, %get3A_17, %get3A_18] : memref<200x4x1024xf32, #tpu.memory_space<vmem>>, vector<200x4x1024xf32>
    %mul3A = vector.broadcast %reshape3A_15 : vector<1x4x1xf32> to vector<200x4x1024xf32>
    %mul3A_20 = arith.mulf %get3A_19, %mul3A : vector<200x4x1024xf32>
    %get3A_21 = arith.constant 0 : index
    %get3A_22 = arith.constant 0 : index
    %get3A_23 = arith.constant 0 : index
    %get3A_24 = vector.load %arg6[%get3A_21, %get3A_22, %get3A_23] : memref<200x4x1024xf32, #tpu.memory_space<vmem>>, vector<200x4x1024xf32>
    %broadcast_in_dim3A = vector.shape_cast %get3A_3 : vector<4x1024xf32> to vector<1x4x1024xf32>
    %mul3A_25 = vector.broadcast %broadcast_in_dim3A : vector<1x4x1024xf32> to vector<200x4x1024xf32>
    %mul3A_26 = arith.mulf %get3A_24, %mul3A_25 : vector<200x4x1024xf32>
    %add3A = arith.addf %mul3A_20, %mul3A_26 : vector<200x4x1024xf32>
    %reduce_sum3A = arith.constant dense<0.000000e+00> : vector<200x1024xf32>
    %reduce_sum3A_27 = vector.multi_reduction <add>, %add3A, %reduce_sum3A [1] : vector<200x4x1024xf32> to vector<200x1024xf32>
    %get3A_28 = arith.constant 0 : index
    %get3A_29 = arith.constant 0 : index
    %get3A_30 = arith.constant 0 : index
    %get3A_31 = vector.load %arg4[%get3A_28, %get3A_29, %get3A_30] : memref<1x200x1xf32, #tpu.memory_space<vmem>>, vector<1x200x1xf32>
    %get3A_32 = vector.shape_cast %get3A_31 : vector<1x200x1xf32> to vector<200x1xf32>
    %add3A_33 = vector.broadcast %get3A_32 : vector<200x1xf32> to vector<200x1024xf32>
    %add3A_34 = arith.addf %reduce_sum3A_27, %add3A_33 : vector<200x1024xf32>
    %swap3A = arith.constant 0 : index
    %swap3A_35 = arith.constant 0 : index
    %swap3A_36 = vector.load %arg7[%swap3A, %swap3A_35] : memref<200x1024xf32, #tpu.memory_space<vmem>>, vector<200x1024xf32>
    tpu.vector_store %arg7[%swap3A, %swap3A_35], %add3A_34 {strides = array<i32>} : memref<200x1024xf32, #tpu.memory_space<vmem>>, vector<200x1024xf32>,
    return
  }
  func.func @transform_0(%arg0: i32) -> i32 {
    %c0_i32 = arith.constant 0 : i32
    %c0_i32_0 = arith.constant 0 : i32
    return %c0_i32 : i32
  }
  func.func @transform_1(%arg0: i32) -> (i32, i32) {
    %c0_i32 = arith.constant 0 : i32
    %c0_i32_0 = arith.constant 0 : i32
    %c0_i32_1 = arith.constant 0 : i32
    return %c0_i32, %c0_i32_0 : i32, i32
  }
  func.func @transform_2(%arg0: i32) -> (i32, i32) {
    %c0_i32 = arith.constant 0 : i32
    %c0_i32_0 = arith.constant 0 : i32
    %c0_i32_1 = arith.constant 0 : i32
    return %c0_i32, %c0_i32_0 : i32, i32
  }
  func.func @transform_3(%arg0: i32) -> (i32, i32, i32) {
    %c0_i32 = arith.constant 0 : i32
    %c0_i32_0 = arith.constant 0 : i32
    %c0_i32_1 = arith.constant 0 : i32
    return %arg0, %c0_i32, %c0_i32_0 : i32, i32, i32
  }
  func.func @transform_4(%arg0: i32) -> (i32, i32, i32) {
    %c0_i32 = arith.constant 0 : i32
    %c0_i32_0 = arith.constant 0 : i32
    %c0_i32_1 = arith.constant 0 : i32
    return %arg0, %c0_i32, %c0_i32_0 : i32, i32, i32
  }
  func.func @transform_5(%arg0: i32) -> (i32, i32, i32) {
    %c0_i32 = arith.constant 0 : i32
    %c0_i32_0 = arith.constant 0 : i32
    %c0_i32_1 = arith.constant 0 : i32
    return %arg0, %c0_i32, %c0_i32_0 : i32, i32, i32
  }
  func.func @transform_6(%arg0: i32) -> (i32, i32) {
    %c0_i32 = arith.constant 0 : i32
    %c0_i32_0 = arith.constant 0 : i32
    return %arg0, %c0_i32 : i32, i32
  }
}

</mosaic_0001>

<sc_bundles>
// kernel: kernel.4.cloned.1.call-start
scs
__scs_entry_jumppad:
0x0: {  	(pc) =	sbr.rel $0x88, $3  }
0x1: {  	(tag) =	ssettag $0x0;
	lr =	simm.s32 $0x1  }
0x2: {  	[smem:$0x3F9B] =	sst lr;
	_ =	strace $0xD0000000  }
0x3: {  	_ = 	snop  }
0x4: {  	_ = 	snop  }
0x5: {  	_ = 	snop  }
0x6: {  	_ = 	snop  }
0x7: {  	_ = 	snop  }
__scs_overlays_trampoline_lowered:
0x8: {  	[smem:$0x3FAA] =	sst s0  }
0x9: {  	[smem:$0x3FAB] =	sst s1  }
0xa: {  	[smem:$0x3FAC] =	sst s2  }
0xb: {  	[smem:$0x3FAD] =	sst s3  }
0xc: {  	[smem:$0x3FAE] =	sst s4  }
0xd: {  	[smem:$0x3FAF] =	sst s5  }
0xe: {  	[smem:$0x3FB0] =	sst s6  }
0xf: {  	[smem:$0x3FB1] =	sst s7  }
0x10: {  	[smem:$0x3FB2] =	sst s8  }
0x11: {  	[smem:$0x3FB3] =	sst s9;
	s0 =	simm.s32 @!p0 $0x0  }
0x12: {  	s1 =	sld [smem:$0x3F99];
	s0 =	simm.s32 @p0 $0x1  }
0x13: {  	[smem:$0x3FB4] =	sst s0;
	s0 =	simm.s32 @!p1 $0x0  }
0x14: {  	s2 =	sld [smem:$0x3F98];
	s0 =	simm.s32 @p1 $0x1  }
0x15: {  	[smem:$0x3FB5] =	sst s0;
	s0 =	simm.s32 @!p2 $0x0  }
0x16: {  	s3 =	sld [smem:$0x3FDB];
	s0 =	simm.s32 @p2 $0x1  }
0x17: {  	s4 =	simm.s32 $0x1BF5;
	[smem:$0x3FB7] =	sst s0  }
0x18: {  	s0 =	sld [smem:$0x3F9A];
	_ =	swait.ge [sflag:s4], $0x0  }
0x19: {  	s7 =	sld [smem:$0x3F9B]  }
0x1a: {  	s8 =	sadd.s32 $0xFFFFE003, lr  }
0x1b: {  	s9 =	sadd.s32 $0xFFFFFEF7, lr;
	s5 =	simm.s32 $0xFFFFFFFF;
	p2 =	slt.u32 s8, $0xFFFFF086  }
0x1c: {  	p1 =	slt.u32 s9, $0xF7A;
	s5 =	simm.s32 @!p2 $0x0  }
0x1d: {  	s5 =	simm.s32 @p1 $0x1;
	p0 =	seq.s32 s7, s2  }
0x1e: {  	s7 =	smul.u32 @!p0 $0xF7A, s2;
	p2 =	seq.s32 @!p0 s5, $0x0  }
0x1f: {  	s9 =	smul.u32 $0xF7A, s1;
	s8 =	simm.s32 @!p0 $0x1BF5;
	p2 =	por !p2, p0  }
0x20: {  	[sflag:s8] =	ssyncset.s32 @!p0 $0xFFFFF086;
	s6 =	sadd.s32 @!p0 s3, s7;
	s7 =	simm.s32 @!p0 $0x108  }
0x21: {  	s3 =	sadd.s32 s3, s9;
	s6 =	sadd.s32 @!p0 $0x88, s6;
	s7 =	simm.s32 @p2 $0x1082  }
0x22: {  	[simem:s7], [sflag:s8] =	dma.local @!p0 [hbm:s6], $0xF7A  }
0x23: {  	s9 =	sor.u32 $0xD0000000, s2;
	s6 =	simm.s32 $0x108;
	_ =	swait.ge @!p0 [sflag:s8], $0x0  }
0x24: {  	s3 =	sadd.s32 $0x88, s3;
	s6 =	simm.s32 @!p1 $0x1082;
	[sflag:s4] =	ssyncset.s32 $0xFFFFF086  }
0x25: {  	[simem:s6], [sflag:s4] =	dma.local [hbm:s3], $0xF7A  }
0x26: {  	[smem:$0x3F9B] =	sst s1;
	(tag) =	ssettag s2;
	_ =	strace s9  }
0x27: {  	s1 =	sld [smem:$0x3FAB]  }
0x28: {  	s2 =	sld [smem:$0x3FAC]  }
0x29: {  	s4 =	sld [smem:$0x3FAE]  }
0x2a: {  	p0 =	seq.s32 s5, $0x0;
	s5 =	sld [smem:$0x3FAF]  }
0x2b: {  	s6 =	sld [smem:$0x3FB0]  }
0x2c: {  	s7 =	sld [smem:$0x3FB1]  }
0x2d: {  	s3 =	simm.s32 $0x108;
	s8 =	sld [smem:$0x3FB2]  }
0x2e: {  	s3 =	simm.s32 @!p0 $0x1082;
	s9 =	sld [smem:$0x3FB3]  }
0x2f: {  	lr =	sadd.s32 s0, s3;
	s0 =	sld [smem:$0x3FAA]  }
0x30: {  	s3 =	sld [smem:$0x3FAD]  }
0x31: {  	[smem:$0x3FB6] =	sst s10  }
0x32: {  	s10 =	sld [smem:$0x3FB4];
	_ =	sdelay $0x3  }
0x33: {  	p0 =	seq.s32 s10, $0x1;
	s10 =	sld [smem:$0x3FB6];
	_ =	sdelay $0x3  }
0x34: {  	[smem:$0x3FB6] =	sst s10  }
0x35: {  	s10 =	sld [smem:$0x3FB5];
	_ =	sdelay $0x3  }
0x36: {  	p1 =	seq.s32 s10, $0x1;
	s10 =	sld [smem:$0x3FB6];
	_ =	sdelay $0x3  }
0x37: {  	[smem:$0x3FB6] =	sst s10  }
0x38: {  	s10 =	sld [smem:$0x3FB7]  }
0x39: {  	_ = 	snop;
	(pc) =	sbr.ind lr, $3  }
0x3a: {  	_ = 	snop  }
0x3b: {  	_ = 	snop  }
0x3c: {  	p2 =	seq.s32 s10, $0x1;
	s10 =	sld [smem:$0x3FB6]  }
0x3d: {  	_ =	shalt  }
0x3e: {  	_ =	shalt  }
0x3f: {  	_ =	shalt  }
0x40: {  	_ =	shalt  }
0x41: {  	_ =	shalt  }
0x42: {  	_ =	shalt  }
0x43: {  	_ =	shalt  }
0x44: {  	_ =	shalt  }
0x45: {  	_ =	shalt  }
0x46: {  	_ =	shalt  }
0x47: {  	_ =	shalt  }
0x48: {  	_ =	shalt  }
0x49: {  	_ =	shalt  }
0x4a: {  	_ =	shalt  }
0x4b: {  	_ =	shalt  }
0x4c: {  	_ =	shalt  }
0x4d: {  	_ =	shalt  }
0x4e: {  	_ =	shalt  }
0x4f: {  	_ =	shalt  }
0x50: {  	_ =	shalt  }
0x51: {  	_ =	shalt  }
0x52: {  	_ =	shalt  }
0x53: {  	_ =	shalt  }
0x54: {  	_ =	shalt  }
0x55: {  	_ =	shalt  }
0x56: {  	_ =	shalt  }
0x57: {  	_ =	shalt  }
0x58: {  	_ =	shalt  }
0x59: {  	_ =	shalt  }
0x5a: {  	_ =	shalt  }
0x5b: {  	_ =	shalt  }
0x5c: {  	_ =	shalt  }
0x5d: {  	_ =	shalt  }
0x5e: {  	_ =	shalt  }
0x5f: {  	_ =	shalt  }
0x60: {  	_ =	shalt  }
0x61: {  	_ =	shalt  }
0x62: {  	_ =	shalt  }
0x63: {  	_ =	shalt  }
0x64: {  	_ =	shalt  }
0x65: {  	_ =	shalt  }
0x66: {  	_ =	shalt  }
0x67: {  	_ =	shalt  }
0x68: {  	_ =	shalt  }
0x69: {  	_ =	shalt  }
0x6a: {  	_ =	shalt  }
0x6b: {  	_ =	shalt  }
0x6c: {  	_ =	shalt  }
0x6d: {  	_ =	shalt  }
0x6e: {  	_ =	shalt  }
0x6f: {  	_ =	shalt  }
0x70: {  	_ =	shalt  }
0x71: {  	_ =	shalt  }
0x72: {  	_ =	shalt  }
0x73: {  	_ =	shalt  }
0x74: {  	_ =	shalt  }
0x75: {  	_ =	shalt  }
0x76: {  	_ =	shalt  }
0x77: {  	_ =	shalt  }
0x78: {  	_ =	shalt  }
0x79: {  	_ =	shalt  }
0x7a: {  	_ =	shalt  }
0x7b: {  	_ =	shalt  }
0x7c: {  	_ =	shalt  }
0x7d: {  	_ =	shalt  }
0x7e: {  	_ =	shalt  }
0x7f: {  	_ =	shalt  }
0x80: {  	_ =	shalt  }
0x81: {  	_ =	shalt  }
0x82: {  	_ =	shalt  }
0x83: {  	_ =	shalt  }
0x84: {  	_ =	shalt  }
0x85: {  	_ =	shalt  }
0x86: {  	_ =	shalt  }
0x87: {  	_ =	shalt  }
.Lfunc_end0:
.L_simem_size_0:
called_computation_lowered:
.L_overlay_start_0:
0x88: {  	s2 =	sld [smem:$0x3FD9]  }
0x89: {  	s3 =	sld [smem:$0x3FFE];
	_ =	sdelay $0x1  }
0x8a: {  	s1 =	srdreg.scid  }
0x8b: {  	s0 =	sand.u32 $0x1, s1  }
0x8c: {  	s17 =	sshll.u32 s0, $0xA;
	s2 =	sadd.s32 s3, s2  }
0x8d: {  	s2 =	sadd.s32 s2, s17  }
0x8e: {  	[smem:$0x3FC2] =	sst s2  }
0x8f: {  	_ = 	snop  }
0x90: {  	s2 =	sld [smem:$0x3FC4]  }
0x91: {  	s18 =	sld [smem:$0x3FD0];
	(tm) =	ssettm $0x1  }
0x92: {  	s4 =	sld [smem:$0x3FFB];
	_ =	sdelay $0x3  }
0x93: {  	_ =	strace s4  }
0x94: {  	s4 =	sld [smem:$0x3FFC];
	_ =	sdelay $0x3  }
0x95: {  	_ =	strace s4  }
0x96: {  	s4 =	sld [smem:$0x3FFD];
	_ =	sdelay $0x3  }
0x97: {  	_ =	strace s4  }
0x98: {  	_ =	strace $0x8FFFFFFF  }
0x99: {  	s19 =	sld [smem:$0x3FDB];
	_ =	sdelay $0x1  }
0x9a: {  	s5 =	simm.s32 $_scs_section_size  }
0x9b: {  	s6 =	simm.s32 $_size__tile_overlayer_lowered;
	s7 =	simm.s32 $_tile_overlayer_lowered  }
0x9c: {  	s22 =	simm.s32 $0x1BFF;
	s21 =	sshll.u32 s7, $0x1;
	s4 =	sadd.s32 s5, s19  }
0x9d: {  	s8 =	simm.s32 $0x0;
	s20 =	sshll.u32 s6, $0x1;
	s6 =	sadd.s32 s21, s4  }
0x9e: {  	[timem:s8], [sflag:s22] =	dma.local [hbm:s6], s20  }
0x9f: {  	_ =	swait.ge [sflag:s22], s20  }
0xa0: {  	s5 =	ssub.s32 $0x0, s20;
	[sflag:s22] =	ssyncset.done $0x0  }
0xa1: {  	[sflag:s22] =	ssyncadd.s32 s5;
	_ =	sdelay $0x1  }
0xa2: {  	s23 =	simm.s32 $0x1B8B  }
0xa3: {  	_ =	swait.ge [sflag:s23], $0x1  }
0xa4: {  	[sflag:s23] =	ssyncset.done $0x0  }
0xa5: {  	s25 =	simm.s32 $0x1B8E;
	s24 =	sld [smem:$0x3FFE];
	[sflag:s23] =	ssyncadd.s32 $0xFFFFFFFF  }
0xa6: {  	s26 =	simm.s32 $execute0_lowered;
	[smem:$0x3FD2] =	sst s25  }
0xa7: {  	s6 =	sshll.u32 s26, $0x1;
	_ =	strace $0x80000046;
	[dreg:$0x1] =	wrdreg $0xFFFFFFFF  }
0xa8: {  	s28 =	simm.s32 $_size_execute0_lowered;
	s4 =	sadd.s32 s4, s6;
	[dreg:$0x0] =	wrdreg $0x0  }
0xa9: {  	s6 =	sshll.u32 s28, $0x1;
	[dreg:$0x2] =	wrdreg s4  }
0xaa: {  	[dreg:$0x3] =	wrdreg s6  }
0xab: {  	[dreg:$0x4] =	wrdreg $0xC0  }
0xac: {  	_ =	task [dreg:s8], $0x5FFFF  }
0xad: {  	[dreg:$0x1] =	wrdreg $0xFFFFFFFF  }
0xae: {  	[dreg:$0x0] =	wrdreg $0x60  }
0xaf: {  	[dreg:$0x2] =	wrdreg s24  }
0xb0: {  	[dreg:$0x3] =	wrdreg s2  }
0xb1: {  	[dreg:$0x4] =	wrdreg s18  }
0xb2: {  	[dreg:$0x5] =	wrdreg $0x9  }
0xb3: {  	_ =	task.clear_ibuf [dreg:s8], $0x6FFFF;
	_ =	strace $0x90000046  }
0xb4: {  	s29 =	simm.s32 $0x9;
	_ =	strace $0x80000048  }
0xb5: {  	_ =	swait.ge [sflag:s29], $0x1  }
0xb6: {  	[sflag:s29] =	ssyncadd.s32 $0xFFFFFFFF  }
0xb7: {  	_ =	strace $0x90000048  }
0xb8: {  	_ =	sfence  }
0xb9: {  	s30 =	sld [smem:$0x0];
	_ =	sdelay $0x2  }
0xba: {  	s31 =	sshll.u32 s1, $0xD;
	s1 =	sshrl.u32 s1, $0x2  }
0xbb: {  	s3 =	sand.u32 $0x4000, s31;
	s1 =	sadd.s32 s1, s30  }
0xbc: {  	s0 =	sor.u32 s3, s0;
	s1 =	sshll.u32 s1, $0x11  }
0xbd: {  	s0 =	sor.u32 s1, s0  }
0xbe: {  	s0 =	sadd.s32 $0x8F2B, s0  }
0xbf: {  	[sflag:s0] =	ssyncadd.remote.s32 $0x1  }
0xc0: {  	_ =	sfence.sel $0xFFFF  }
0xc1: {  	[dreg:$0x0] =	wrdreg $0xFFFFFFFF;
	(pc) =	sbr.abs _section_cstart, $3  }
0xc2: {  	[dreg:$0x1] =	wrdreg $0xFFFFFFFF  }
0xc3: {  	_ =	task.clear_ibuf [dreg:s8], $0x2FFFF;
	_ =	strace $0x9FFFFFFF  }
0xc4: {  	(tm) =	ssettm $0x7FFFFFFF  }
0xc5: {  	_ =	shalt  }
tec
execute0_lowered:
.L_overlay_start_1:
0x0: {  	(tag) =	ssettag $0x1  }
0x1: {  	s5 =	rddreg [dreg:$0x0]  }
0x2: {  	s4 =	rddreg [dreg:$0x1]  }
0x3: {  	s6 =	rddreg [dreg:$0x2]  }
0x4: {  	s0 =	rddreg [dreg:$0x3];
	s2 =	simm.s32 $0x0;
	s3 =	srdreg.scid  }
0x5: {  	s1 =	stileid.u32;
	s10 =	simm.s32 $0x900;
	s11 =	simm.s32 $0x1100  }
0x6: {  	s12 =	simm.s32 $0x1900;
	s13 =	simm.s32 $0x2100;
	s14 =	simm.s32 $0x2900  }
0x7: {  	s15 =	simm.s32 $0x3100;
	s16 =	simm.s32 $0x3900;
	s17 =	simm.s32 $0x1  }
0x8: {  	[smem:$0x7FF] =	sst s2;
	s3 =	sand.u32 $0x1, s3;
	s8 =	sshll.u32 s1, $0x6  }
0x9: {  	s7 =	ssub.s32 $0x2, s3;
	s3 =	sshll.u32 s3, $0x5;
	_ =	strace $0x80000047  }
0xa: {  	s9 =	sshrl.u32 s7, $0x1;
	s8 =	sor.u32 s3, s8;
	s3 =	sadd.s32 $0x1800, s5  }
0xb: {  	v2 =	vlaneseq.u32;
	s5 =	sadd.s32 $0x1900, s5;
	s7 =	ssub.s32 s7, s9;
	s31 =	sshrl.u32 s8, $0x3  }
0xc: {  	vm0 =	vmmov $0xffff;
	v1 =	vshrl.u32 v2, $0x3;
	s8 =	sshll.u32 s8, $0x6;
	s9 =	simm.s32 $0x100;
	s4 =	sadd.s32 s4, s31  }
0xd: {  	v0 =	vand.u32 $0x7, v2;
	v2 =	vor.u32 $0x8, v2;
	v1 =	vmul.u32 $0x8, v1;
	s6 =	sadd.s32 s6, s8;
	s7 =	smax.u32 s7, $0x1;
	s8 =	simm.s32 $0x2  }
.LBB2_1:
0xe: {  	[tilespmem:s2], [sflag:$0x2] =	stream.linear.gather [hbm4b:s4+s2], $0x20, $0x38;
	[tilespmem:$0x4100] =	vst v63  }
0xf: {  	_ =	swait.ge [sflag:s8], $0x20  }
0x10: {  	[sflag:s8] =	ssyncset.done $0x0  }
0x11: {  	[sflag:s8] =	ssyncadd.s32 $0xFFFFFFE0  }
0x12: {  	v3 =	vld [tilespmem:$0x0];
	_ =	sdelay $0x4  }
0x13: {  	v4 =	vshrl.u32 v3, $0x7;
	v3 =	vshrl.u32 v3, $0x5  }
0x14: {  	v5 =	vand.u32 $0x7, v4;
	v3 =	vand.u32 $0x7FFFFE0, v3  }
0x15: {  	v3 =	vor.u32 v5, v3  }
0x16: {  	v61 =	vld [tilespmem:$0x10];
	v6 =	vperm.xlane v3, v0;
	_ =	sdelay $0x1  }
0x17: {  	v6 =	vadd.s32 v1, v6;
	_ =	sdelay $0x1  }
0x18: {  	v3 =	vperm.xlane v3, v2  }
0x19: {  	v62 =	vshrl.u32 v61, $0x7;
	[tilespmem:$0x80] =	vst v4  }
0x1a: {  	[tilespmem:$0x90] =	vst v62;
	v3 =	vadd.s32 v1, v3  }
0x1b: {  	[tilespmem:s9], [sflag:$0x1] =	stream.indirect_vreg.gather [hbm4b:s3+s2], $0x80, v6, vm0, $0xb8;
	[tilespmem:$0x4100] =	vst v63  }
0x1c: {  	_ = 	snop  }
0x1d: {  	[tilespmem:s10], [sflag:$0x1] =	stream.indirect_vreg.gather [hbm4b:s5+s2], $0x80, v6, vm0, $0xb8;
	[tilespmem:$0x4100] =	vst v63  }
0x1e: {  	_ = 	snop  }
0x1f: {  	[tilespmem:s11], [sflag:$0x1] =	stream.indirect_vreg.gather [hbm4b:s3+s2], $0x80, v3, vm0, $0xb8;
	[tilespmem:$0x4100] =	vst v63  }
0x20: {  	_ = 	snop  }
0x21: {  	[tilespmem:s12], [sflag:$0x1] =	stream.indirect_vreg.gather [hbm4b:s5+s2], $0x80, v3, vm0, $0xb8;
	[tilespmem:$0x4100] =	vst v63  }
0x22: {  	v3 =	vld [tilespmem:$0x90];
	_ =	sdelay $0x4  }
0x23: {  	v63 =	vshll.u32 v3, $0x2  }
0x24: {  	v3 =	vand.u32 $0x7, v3;
	v4 =	vand.u32 $0xFFFFFFE0, v63  }
0x25: {  	v3 =	vor.u32 v3, v4  }
0x26: {  	v4 =	vperm.xlane v3, v0;
	_ =	sdelay $0x1  }
0x27: {  	v4 =	vadd.s32 v1, v4;
	_ =	sdelay $0x1  }
0x28: {  	v3 =	vperm.xlane v3, v2;
	_ =	sdelay $0x1  }
0x29: {  	v3 =	vadd.s32 v1, v3  }
0x2a: {  	[tilespmem:s13], [sflag:$0x1] =	stream.indirect_vreg.gather [hbm4b:s3+s2], $0x80, v4, vm0, $0xb8;
	[tilespmem:$0x4100] =	vst v63  }
0x2b: {  	_ = 	snop  }
0x2c: {  	[tilespmem:s14], [sflag:$0x1] =	stream.indirect_vreg.gather [hbm4b:s5+s2], $0x80, v4, vm0, $0xb8;
	[tilespmem:$0x4100] =	vst v63  }
0x2d: {  	_ = 	snop  }
0x2e: {  	[tilespmem:s15], [sflag:$0x1] =	stream.indirect_vreg.gather [hbm4b:s3+s2], $0x80, v3, vm0, $0xb8;
	[tilespmem:$0x4100] =	vst v63  }
0x2f: {  	_ = 	snop  }
0x30: {  	[tilespmem:s16], [sflag:$0x1] =	stream.indirect_vreg.gather [hbm4b:s5+s2], $0x80, v3, vm0, $0xb8;
	[tilespmem:$0x4100] =	vst v63  }
0x31: {  	_ =	swait.ge [sflag:s17], $0x4000  }
0x32: {  	p0 =	sne.s32 s7, $0x1;
	[sflag:s17] =	ssyncset.done $0x0  }
.Ltmp0:
0x33: {  	[sflag:s17] =	ssyncadd.s32 $0xFFFFC000;
	(pc) =	sbr.rel @p0 .LBB2_1-.Ltmp0, $4  }
0x34: {  	[hbm4b:s6+s2] =	stream.linear.scatter [tilespmem:s9], [sflag:$0x2], $0x4000, $0x38;
	[tilespmem:$0x4100] =	vst v63  }
0x35: {  	_ =	swait.ge [sflag:s8], $0x4000  }
0x36: {  	[sflag:s8] =	ssyncset.done $0x0  }
0x37: {  	s7 =	sadd.s32 $0xFFFFFFFF, s7;
	[sflag:s8] =	ssyncadd.s32 $0xFFFFC000  }
0x38: {  	_ =	sfence.sel $0x180000  }
0x39: {  	[bflag:$0x0] =	sbarrier.arrive $0xFFFF  }
0x3a: {  	p0 =	sne.s32 s1, $0x0;
	_ =	strace $0x90000047  }
0x3b: {  	s0 =	sadd.s32 @!p0 $0x100000, s0;
	[bflag:$0x2] =	sbarrier.arrive $0xFFFF  }
0x3c: {  	[sflag:s0] =	ssyncadd.tile.s32 @!p0 $0x1;
	_ =	shalt  }
.Lfunc_end2:
_tile_overlayer_lowered:
.L_overlay_start_2:
0x3d: {  	(tag) =	ssettag $0x2  }
0x3e: {  	s0 =	rddreg [dreg:$0x0];
	s2 =	stileid.u32  }
0x3f: {  	s1 =	rddreg [dreg:$0x1];
	p0 =	sne.s32 s2, $0x0  }
0x40: {  	s3 =	rddreg [dreg:$0x2];
	[bflag:$0x3] =	sbarrier.arrive $0xFFFF;
	s2 =	simm.s32 @!p0 $0x1C02  }
0x41: {  	[timem:s3], [sflag:s2] =	dma.local @!p0 [hbm:s0], s1  }
0x42: {  	s0 =	simm.s32 @!p0 $0x2  }
0x43: {  	_ =	swait.ge @!p0 [sflag:s0], s1  }
0x44: {  	s1 =	ssub.s32 @!p0 $0x0, s1;
	[sflag:s0] =	ssyncset.done @!p0 $0x0  }
0x45: {  	[sflag:s0] =	ssyncadd.s32 @!p0 s1  }
0x46: {  	[bflag:$0x3] =	sbarrier.arrive $0xFFFF  }
0x47: {  	_ =	shalt  }

</sc_bundles>
